<compile_context>
chip_gen: v7x
topology: tpu7x:2x2x1
jax: 0.10.2.dev20260603
libtpu: 0.0.44.dev20260713+nightly
codegen_flags: <defaults>
</compile_context>

<pallas_src>
import functools

import jax
import jax.numpy as jnp
import numpy as np
from jax import lax
from jax.experimental import pallas as pl
from jax.experimental.pallas import tpu as pltpu
from jax.experimental.pallas import tpu_sc as plsc

_B, _S, _D, _N = 8, 64, 1024, 4096
_K = 1000
_EPS = float(np.finfo(np.float32).tiny)
_CN = 512
_NCH = _N // _CN
_NW = 32
_RPW = (_B * _S) // _NW



def _sc_gather(table, ids):
    mesh = plsc.VectorSubcoreMesh(core_axis_name="c", subcore_axis_name="s")

    @functools.partial(
        pl.kernel,
        out_type=jax.ShapeDtypeStruct((_B * _S, _D), jnp.float32),
        mesh=mesh,
        scratch_types=[
            pltpu.VMEM((_RPW,), jnp.int32),
            pltpu.VMEM((_RPW, _D), jnp.float32),
            pltpu.SemaphoreType.DMA,
        ],
    )
    def gather_kernel(table_hbm, ids_hbm, out_hbm, idx_v, rows_v, sem):
        wid = lax.axis_index("s") * 2 + lax.axis_index("c")
        base = wid * _RPW
        pltpu.sync_copy(ids_hbm.at[pl.ds(base, _RPW)], idx_v)
        pltpu.async_copy(table_hbm.at[idx_v], rows_v, sem).wait()
        pltpu.sync_copy(rows_v, out_hbm.at[pl.ds(base, _RPW)])

    return gather_kernel(table, ids)



def _tc_body(mask_ref, x_ref, gumbel_ref, w_ref, reps_ref, logp_ref,
             pooled_scr, reps_scr, khot_scr):
    j = pl.program_id(0)

    @pl.when(j == 0)
    def _pool():
        x = x_ref[...]
        m = mask_ref[...]
        mw = m[:, :, None]
        num = jnp.sum(x * mw, axis=1)
        den = jnp.maximum(jnp.sum(mw, axis=1), 1.0)
        pooled_scr[...] = num / den

    chunk = jnp.dot(pooled_scr[...], w_ref[...],
                    preferred_element_type=jnp.float32)
    reps_ref[...] = chunk
    reps_scr[:, pl.ds(j * _CN, _CN)] = chunk

    @pl.when(j == _NCH - 1)
    def _subset():
        reps = reps_scr[...]
        g = gumbel_ref[...]
        s0 = reps + g

        u0 = jnp.exp(s0 - jnp.max(s0, axis=-1, keepdims=True))
        khot_scr[...] = jnp.zeros_like(s0)

        def body(_, u):
            zinv = 1.0 / jnp.sum(u, axis=-1, keepdims=True)
            p = u * zinv
            khot_scr[...] += p
            return u * jnp.maximum(1.0 - p, _EPS)

        lax.fori_loop(0, _K, body, u0)
        khot = khot_scr[...]

        rmax = jnp.max(reps, axis=-1, keepdims=True)
        lse = rmax + jnp.log(jnp.sum(jnp.exp(reps - rmax), axis=-1,
                                     keepdims=True))
        lp = reps - lse

        ki = lax.bitcast_convert_type(khot, jnp.int32)

        def bs_val(_, c):
            lo, hi = c
            mid = lo + (hi - lo) // 2
            cnt = jnp.sum((ki >= mid).astype(jnp.int32), axis=-1,
                          keepdims=True)
            ge = cnt >= _K
            return (jnp.where(ge, mid, lo), jnp.where(ge, hi, mid))

        lo0 = jnp.zeros((_B, 1), jnp.int32)
        hi0 = jnp.full((_B, 1), 0x7F800000, jnp.int32)
        t, _ = lax.fori_loop(0, 31, bs_val, (lo0, hi0))

        gt = ki > t
        eq = ki == t
        n_gt = jnp.sum(gt.astype(jnp.int32), axis=-1, keepdims=True)
        need = _K - n_gt

        idx = lax.broadcasted_iota(jnp.int32, (_B, _N), 1)

        def bs_idx(_, c):
            lo, hi = c
            mid = lo + (hi - lo) // 2
            cnt = jnp.sum((eq & (idx <= mid)).astype(jnp.int32), axis=-1,
                          keepdims=True)
            ge = cnt >= need
            return (jnp.where(ge, lo, mid), jnp.where(ge, mid, hi))

        plo0 = jnp.full((_B, 1), -1, jnp.int32)
        phi0 = jnp.full((_B, 1), _N - 1, jnp.int32)
        _, p = lax.fori_loop(0, 13, bs_idx, (plo0, phi0))
        p = jnp.where(need > 0, p, -1)

        sel = gt | (eq & (idx <= p))
        w = (1.0 - khot) + khot
        logp = jnp.sum(jnp.where(sel, w * lp, 0.0), axis=-1, keepdims=True)
        logp_ref[...] = logp


def _tc_call(mask, x, gumbel, w):
    reps, logp = pl.pallas_call(
        _tc_body,
        grid=(_NCH,),
        in_specs=[
            pl.BlockSpec((_B, _S), lambda j: (0, 0)),
            pl.BlockSpec((_B, _S, _D), lambda j: (0, 0, 0)),
            pl.BlockSpec((_B, _N), lambda j: (0, 0)),
            pl.BlockSpec((_D, _CN), lambda j: (0, j)),
        ],
        out_specs=[
            pl.BlockSpec((_B, _CN), lambda j: (0, j)),
            pl.BlockSpec((_B, 1), lambda j: (0, 0)),
        ],
        out_shape=[
            jax.ShapeDtypeStruct((_B, _N), jnp.float32),
            jax.ShapeDtypeStruct((_B, 1), jnp.float32),
        ],
        scratch_shapes=[
            pltpu.VMEM((_B, _D), jnp.float32),
            pltpu.VMEM((_B, _N), jnp.float32),
            pltpu.VMEM((_B, _N), jnp.float32),
        ],
    )(mask, x, gumbel, w)
    return reps, logp


def kernel(input_ids, attention_mask, gumbel, emb, W):
    ids = input_ids.reshape(-1).astype(jnp.int32)
    rows = _sc_gather(emb, ids)
    x = rows.reshape(_B, _S, _D)
    reps, logp = _tc_call(attention_mask, x, gumbel, W)
    return (logp.reshape(_B), reps)

# --- scband reference (transcript-rebuilt; emitter-appended) ---
"""Pipeline reference for scband-answering-head-17420387353205 (READ-ONLY COPY).

The authoritative reference and input builder live on the scoring server;
editing this copy changes nothing except your own understanding.
"""

import jax, jax.numpy as jnp
import numpy as np

B, S, V_IN, D, N = 8, 64, 32000, 1024, 4096
K_SUBSET = 1000
TAU = 1.0
EPS = float(np.finfo(np.float32).tiny)


def _subset_operator(scores, gumbel):
    # SubsetOperator (Xie & Ermon): iterative gumbel-softmax relaxation of top-k,
    # hard=True -> straight-through k-hot mask.
    s0 = scores + gumbel
    z = jnp.zeros_like(s0)

    def body(carry, _):
        s, khot, onehot = carry
        khot_mask = jnp.maximum(1.0 - onehot, EPS)
        s = s + jnp.log(khot_mask)
        onehot = jax.nn.softmax(s / TAU, axis=-1)
        khot = khot + onehot
        return (s, khot, onehot), None

    (_, khot, _), _ = jax.lax.scan(body, (s0, z, z), None, length=K_SUBSET)
    _, ind = jax.lax.top_k(khot, K_SUBSET)
    rows = jnp.arange(khot.shape[0])[:, None]
    khot_hard = jnp.zeros_like(khot).at[rows, ind].set(1.0)
    # straight-through: forward == khot_hard, grad flows through khot
    return khot_hard - jax.lax.stop_gradient(khot) + khot


def _encoder(input_ids, attention_mask, emb, W):
    # stub encoder producing .reps : embedding lookup + masked mean pool + projection
    x = jnp.take(emb, input_ids, axis=0)  # [B, S, D]
    m = attention_mask[..., None]
    pooled = (x * m).sum(axis=1) / jnp.clip(m.sum(axis=1), 1.0, None)  # [B, D]
    return pooled @ W  # [B, N]


def setup_inputs(seed: int = 0) -> dict:
    key = jax.random.key(seed)
    k1, k2, k3, k4 = jax.random.split(key, 4)
    input_ids = jax.random.randint(k1, (B, S), 0, V_IN, dtype=jnp.int32)
    attention_mask = jnp.ones((B, S), dtype=jnp.float32)
    u = jax.random.uniform(k2, (B, N), dtype=jnp.float32, minval=1e-7, maxval=1.0 - 1e-7)
    gumbel = -jnp.log(-jnp.log(u))  # gumbel(0,1) noise consumed by SubsetOperator
    emb = jax.random.normal(k3, (V_IN, D), dtype=jnp.float32) * 0.02
    W = jax.random.normal(k4, (D, N), dtype=jnp.float32) * 0.02
    return {"input_ids": input_ids, "attention_mask": attention_mask, "gumbel": gumbel, "emb": emb, "W": W}


def reference(input_ids, attention_mask, gumbel, emb, W):
    reps = _encoder(input_ids, attention_mask, emb, W)  # [B, N]
    all_logprobs = jax.nn.log_softmax(reps, axis=-1)
    selections = _subset_operator(reps, gumbel)  # hard k-hot [B, N]
    logprobs = (all_logprobs * selections).sum(axis=1)  # [B]
    actions = reps
    # NOTE: original source returns (values, logprobs, actions) but `values` is
    # undefined (NameError in the original). We return the well-defined outputs.
    return (logprobs, actions)

if __name__ == "__main__":
    import jax
    _d = setup_inputs()
    print(jax.jit(kernel)(*tuple(_d.values())))

</pallas_src>

<mosaic_0001>
#map = affine_map<(d0, d1) -> (0, 0)>
#map1 = affine_map<(d0, d1) -> (0)>
module attributes {stable_mosaic.version = 14 : i64} {
  func.func @gather_kernel(%arg0: i32, %arg1: i32, %arg2: memref<32000x1024xf32, #tpu.memory_space<hbm>>, %arg3: memref<512xi32, #tpu.memory_space<hbm>>, %arg4: memref<512x1024xf32, #tpu.memory_space<hbm>>, %arg5: memref<16xi32, #tpu.memory_space<vmem>>, %arg6: memref<16x1024xf32, #tpu.memory_space<vmem>>, %arg7: memref<!tpu.dma_semaphore, #tpu.memory_space<semaphore_mem>>) attributes {dimension_semantics = [#tpu.dimension_semantics<core_parallel>, #tpu.dimension_semantics<subcore_parallel>], iteration_bounds = array<i64: 2, 16>, scalar_prefetch = 0 : i64, scratch_operands = 3 : i64, tpu.core_type = #tpu.core_type<sc_vector_subcore>, window_params = [{transform_indices = #map}, {transform_indices = #map1}, {transform_indices = #map}]} {
    %mul3A = arith.constant 2 : i32
    %mul3A_0 = arith.muli %arg1, %mul3A : i32
    %add3A = arith.addi %mul3A_0, %arg0 : i32
    %mul3A_1 = arith.constant 16 : i32
    %mul3A_2 = arith.muli %add3A, %mul3A_1 : i32
    "tpu.region"() ({
      %run_scoped3A = tpu.sem_alloc : memref<!tpu.dma_semaphore, #tpu.memory_space<semaphore_mem>>
      %dma_start3A_7 = tpu.memref_slice %arg3[%mul3A_2] : memref<512xi32, #tpu.memory_space<hbm>> -> memref<16xi32, #tpu.memory_space<hbm>>
      %dma_start3A_8 = tpu.memref_slice %arg3[%mul3A_2] : memref<512xi32, #tpu.memory_space<hbm>> -> memref<16xi32, #tpu.memory_space<hbm>>
      tpu.enqueue_dma source(%dma_start3A_8 : memref<16xi32, #tpu.memory_space<hbm>>) target(%arg5 : memref<16xi32, #tpu.memory_space<vmem>>) target_semaphore(%run_scoped3A : memref<!tpu.dma_semaphore, #tpu.memory_space<semaphore_mem>>)
      %dma_wait3A_9 = tpu.memref_slice %arg3[%mul3A_2] : memref<512xi32, #tpu.memory_space<hbm>> -> memref<16xi32, #tpu.memory_space<hbm>>
      %dma_wait3A_10 = tpu.memref_slice %arg3[%mul3A_2] : memref<512xi32, #tpu.memory_space<hbm>> -> memref<16xi32, #tpu.memory_space<hbm>>
      tpu.wait_dma2 semaphore(%run_scoped3A : memref<!tpu.dma_semaphore, #tpu.memory_space<semaphore_mem>>) src(%dma_wait3A_10 : memref<16xi32, #tpu.memory_space<hbm>>) dst(%arg5 : memref<16xi32, #tpu.memory_space<vmem>>)
      tpu.yield
    }) : () -> ()
    %dma_start3A = arith.constant 0 : i32
    %dma_start3A_3 = arith.constant 0 : i32
    %dma_start3A_4 = tpu.memref_slice %arg2[%dma_start3A, %dma_start3A_3] : memref<32000x1024xf32, #tpu.memory_space<hbm>> -> memref<32000x1024xf32, #tpu.memory_space<hbm>>
    tpu.enqueue_indirect_dma source(%dma_start3A_4 : memref<32000x1024xf32, #tpu.memory_space<hbm>>) target(%arg6 : memref<16x1024xf32, #tpu.memory_space<vmem>>) offsets(%arg5 : memref<16xi32, #tpu.memory_space<vmem>>) semaphore(%arg7 : memref<!tpu.dma_semaphore, #tpu.memory_space<semaphore_mem>>)
    %dma_wait3A = arith.constant 0 : i32
    %dma_wait3A_5 = arith.constant 0 : i32
    %dma_wait3A_6 = tpu.memref_slice %arg2[%dma_wait3A, %dma_wait3A_5] : memref<32000x1024xf32, #tpu.memory_space<hbm>> -> memref<32000x1024xf32, #tpu.memory_space<hbm>>
    tpu.wait_indirect_dma semaphore(%arg7 : memref<!tpu.dma_semaphore, #tpu.memory_space<semaphore_mem>>) src(%dma_wait3A_6 : memref<32000x1024xf32, #tpu.memory_space<hbm>>) dst(%arg6 : memref<16x1024xf32, #tpu.memory_space<vmem>>)
    "tpu.region"() ({
      %run_scoped3A = tpu.sem_alloc : memref<!tpu.dma_semaphore, #tpu.memory_space<semaphore_mem>>
      %dma_start3A_7 = arith.constant 0 : i32
      %dma_start3A_8 = tpu.memref_slice %arg4[%mul3A_2, %dma_start3A_7] : memref<512x1024xf32, #tpu.memory_space<hbm>> -> memref<16x1024xf32, #tpu.memory_space<hbm>>
      %dma_start3A_9 = arith.constant 0 : i32
      %dma_start3A_10 = tpu.memref_slice %arg4[%mul3A_2, %dma_start3A_9] : memref<512x1024xf32, #tpu.memory_space<hbm>> -> memref<16x1024xf32, #tpu.memory_space<hbm>>
      tpu.enqueue_dma source(%arg6 : memref<16x1024xf32, #tpu.memory_space<vmem>>) target(%dma_start3A_10 : memref<16x1024xf32, #tpu.memory_space<hbm>>) target_semaphore(%run_scoped3A : memref<!tpu.dma_semaphore, #tpu.memory_space<semaphore_mem>>)
      %dma_wait3A_11 = arith.constant 0 : i32
      %dma_wait3A_12 = tpu.memref_slice %arg4[%mul3A_2, %dma_wait3A_11] : memref<512x1024xf32, #tpu.memory_space<hbm>> -> memref<16x1024xf32, #tpu.memory_space<hbm>>
      %dma_wait3A_13 = arith.constant 0 : i32
      %dma_wait3A_14 = tpu.memref_slice %arg4[%mul3A_2, %dma_wait3A_13] : memref<512x1024xf32, #tpu.memory_space<hbm>> -> memref<16x1024xf32, #tpu.memory_space<hbm>>
      tpu.wait_dma2 semaphore(%run_scoped3A : memref<!tpu.dma_semaphore, #tpu.memory_space<semaphore_mem>>) src(%arg6 : memref<16x1024xf32, #tpu.memory_space<vmem>>) dst(%dma_wait3A_14 : memref<16x1024xf32, #tpu.memory_space<hbm>>)
      tpu.yield
    }) : () -> ()
    return
  }
}

module attributes {stable_mosaic.version = 14 : i64} {
  func.func @_tc_body(%arg0: i32, %arg1: memref<8x64xf32, #tpu.memory_space<vmem>>, %arg2: memref<8x64x1024xf32, #tpu.memory_space<vmem>>, %arg3: memref<8x4096xf32, #tpu.memory_space<vmem>>, %arg4: memref<1024x512xf32, #tpu.memory_space<vmem>>, %arg5: memref<8x512xf32, #tpu.memory_space<vmem>>, %arg6: memref<8x1xf32, #tpu.memory_space<vmem>>, %arg7: memref<8x1024xf32, #tpu.memory_space<vmem>>, %arg8: memref<8x4096xf32, #tpu.memory_space<vmem>>, %arg9: memref<8x4096xf32, #tpu.memory_space<vmem>>) attributes {dimension_semantics = [#tpu.dimension_semantics<arbitrary>], iteration_bounds = array<i64: 8>, scalar_prefetch = 0 : i64, scratch_operands = 3 : i64, tpu.core_type = #tpu.core_type<tc>, window_params = [{pipeline_mode = #tpu.pipeline_mode<synchronous>, transform_indices = @transform_0, window_bounds = array<i64: 8, 64>}, {pipeline_mode = #tpu.pipeline_mode<synchronous>, transform_indices = @transform_1, window_bounds = array<i64: 8, 64, 1024>}, {pipeline_mode = #tpu.pipeline_mode<synchronous>, transform_indices = @transform_2, window_bounds = array<i64: 8, 4096>}, {transform_indices = @transform_3, window_bounds = array<i64: 1024, 512>}, {transform_indices = @transform_4, window_bounds = array<i64: 8, 512>}, {pipeline_mode = #tpu.pipeline_mode<synchronous>, transform_indices = @transform_5, window_bounds = array<i64: 8, 1>}]} {
    %eq3A = arith.constant 0 : i32
    %eq3A_0 = arith.cmpi eq, %arg0, %eq3A : i32
    %convert_element_type3A = arith.extui %eq3A_0 : i1 to i32
    %cond3A = arith.constant 0 : i32
    %cond3A_1 = arith.cmpi ne, %convert_element_type3A, %cond3A : i32
    scf.if %cond3A_1 {
      %get3A_19 = arith.constant 0 : index
      %get3A_20 = arith.constant 0 : index
      %get3A_21 = arith.constant 0 : index
      %get3A_22 = vector.load %arg2[%get3A_19, %get3A_20, %get3A_21] : memref<8x64x1024xf32, #tpu.memory_space<vmem>>, vector<8x64x1024xf32>
      %get3A_23 = arith.constant 0 : index
      %get3A_24 = arith.constant 0 : index
      %get3A_25 = vector.load %arg1[%get3A_23, %get3A_24] : memref<8x64xf32, #tpu.memory_space<vmem>>, vector<8x64xf32>
      %broadcast_in_dim3A = vector.shape_cast %get3A_25 : vector<8x64xf32> to vector<8x64x1xf32>
      %mul3A_26 = vector.broadcast %broadcast_in_dim3A : vector<8x64x1xf32> to vector<8x64x1024xf32>
      %mul3A_27 = arith.mulf %get3A_22, %mul3A_26 : vector<8x64x1024xf32>
      %reduce_sum3A = arith.constant dense<0.000000e+00> : vector<8x1024xf32>
      %reduce_sum3A_28 = vector.multi_reduction <add>, %mul3A_27, %reduce_sum3A [1] : vector<8x64x1024xf32> to vector<8x1024xf32>
      %reduce_sum3A_29 = arith.constant dense<0.000000e+00> : vector<8x1xf32>
      %reduce_sum3A_30 = vector.multi_reduction <add>, %broadcast_in_dim3A, %reduce_sum3A_29 [1] : vector<8x64x1xf32> to vector<8x1xf32>
      %max3A = arith.constant 1.000000e+00 : f32
      %max3A_31 = vector.broadcast %max3A : f32 to vector<8x1xf32>
      %max3A_32 = arith.maximumf %reduce_sum3A_30, %max3A_31 : vector<8x1xf32>
      %div3A = vector.broadcast %max3A_32 : vector<8x1xf32> to vector<8x1024xf32>
      %div3A_33 = arith.divf %reduce_sum3A_28, %div3A : vector<8x1024xf32>
      %swap3A_34 = arith.constant 0 : index
      %swap3A_35 = arith.constant 0 : index
      %swap3A_36 = vector.load %arg7[%swap3A_34, %swap3A_35] : memref<8x1024xf32, #tpu.memory_space<vmem>>, vector<8x1024xf32>
      tpu.vector_store %arg7[%swap3A_34, %swap3A_35], %div3A_33 {strides = array<i32>} : memref<8x1024xf32, #tpu.memory_space<vmem>>, vector<8x1024xf32>,
    } else {
    }
    %get3A = arith.constant 0 : index
    %get3A_2 = arith.constant 0 : index
    %get3A_3 = vector.load %arg7[%get3A, %get3A_2] : memref<8x1024xf32, #tpu.memory_space<vmem>>, vector<8x1024xf32>
    %get3A_4 = arith.constant 0 : index
    %get3A_5 = arith.constant 0 : index
    %get3A_6 = vector.load %arg4[%get3A_4, %get3A_5] : memref<1024x512xf32, #tpu.memory_space<vmem>>, vector<1024x512xf32>
    %dot_general3A = arith.constant dense<0.000000e+00> : vector<8x512xf32>
    %dot_general3A_7 = tpu.matmul %get3A_3, %get3A_6, %dot_general3A {dimension_numbers = #tpu.dot_dimension_numbers<[1], [0], [0], [1], [0, 0, 1, 1], [], []>, transpose_lhs_hint = false} : vector<8x1024xf32>, vector<1024x512xf32>, vector<8x512xf32> -> vector<8x512xf32>
    %swap3A = arith.constant 0 : index
    %swap3A_8 = arith.constant 0 : index
    %swap3A_9 = vector.load %arg5[%swap3A, %swap3A_8] : memref<8x512xf32, #tpu.memory_space<vmem>>, vector<8x512xf32>
    tpu.vector_store %arg5[%swap3A, %swap3A_8], %dot_general3A_7 {strides = array<i32>} : memref<8x512xf32, #tpu.memory_space<vmem>>, vector<8x512xf32>,
    %mul3A = arith.constant 512 : i32
    %mul3A_10 = arith.muli %arg0, %mul3A : i32
    %swap3A_11 = arith.constant 0 : index
    %swap3A_12 = arith.index_cast %mul3A_10 : i32 to index
    %swap3A_13 = vector.load %arg8[%swap3A_11, %swap3A_12] : memref<8x4096xf32, #tpu.memory_space<vmem>>, vector<8x512xf32>
    tpu.vector_store %arg8[%swap3A_11, %swap3A_12], %dot_general3A_7 {strides = array<i32>} : memref<8x4096xf32, #tpu.memory_space<vmem>>, vector<8x512xf32>,
    %eq3A_14 = arith.constant 7 : i32
    %eq3A_15 = arith.cmpi eq, %arg0, %eq3A_14 : i32
    %convert_element_type3A_16 = arith.extui %eq3A_15 : i1 to i32
    %cond3A_17 = arith.constant 0 : i32
    %cond3A_18 = arith.cmpi ne, %convert_element_type3A_16, %cond3A_17 : i32
    scf.if %cond3A_18 {
      %get3A_19 = arith.constant 0 : index
      %get3A_20 = arith.constant 0 : index
      %get3A_21 = vector.load %arg8[%get3A_19, %get3A_20] : memref<8x4096xf32, #tpu.memory_space<vmem>>, vector<8x4096xf32>
      %get3A_22 = arith.constant 0 : index
      %get3A_23 = arith.constant 0 : index
      %get3A_24 = vector.load %arg3[%get3A_22, %get3A_23] : memref<8x4096xf32, #tpu.memory_space<vmem>>, vector<8x4096xf32>
      %add3A = arith.addf %get3A_21, %get3A_24 : vector<8x4096xf32>
      %reduce_max3A = arith.constant dense<0xFF800000> : vector<8xf32>
      %reduce_max3A_25 = vector.multi_reduction <maximumf>, %add3A, %reduce_max3A [1] : vector<8x4096xf32> to vector<8xf32>
      %broadcast_in_dim3A = vector.shape_cast %reduce_max3A_25 : vector<8xf32> to vector<8x1xf32>
      %sub3A = vector.broadcast %broadcast_in_dim3A : vector<8x1xf32> to vector<8x4096xf32>
      %sub3A_26 = arith.subf %add3A, %sub3A : vector<8x4096xf32>
      %exp3A = math.exp %sub3A_26 : vector<8x4096xf32>
      %broadcast_in_dim3A_27 = arith.constant 0.000000e+00 : f32
      %broadcast_in_dim3A_28 = vector.broadcast %broadcast_in_dim3A_27 : f32 to vector<8x4096xf32>
      %swap3A_29 = arith.constant 0 : index
      %swap3A_30 = arith.constant 0 : index
      %swap3A_31 = vector.load %arg9[%swap3A_29, %swap3A_30] : memref<8x4096xf32, #tpu.memory_space<vmem>>, vector<8x4096xf32>
      tpu.vector_store %arg9[%swap3A_29, %swap3A_30], %broadcast_in_dim3A_28 {strides = array<i32>} : memref<8x4096xf32, #tpu.memory_space<vmem>>, vector<8x4096xf32>,
      %scan3A = arith.constant 0 : i32
      %scan3A_32 = arith.constant 1000 : i32
      %scan3A_33 = arith.addi %scan3A, %scan3A_32 : i32
      %scan3A_34 = arith.constant 1 : i32
      %scan3A_35 = scf.for %scan3A_97 = %scan3A to %scan3A_33 step %scan3A_34 iter_args(%scan3A_98 = %exp3A) -> (vector<8x4096xf32>)  : i32 {
        %reduce_sum3A_99 = arith.constant dense<0.000000e+00> : vector<8xf32>
        %reduce_sum3A_100 = vector.multi_reduction <add>, %scan3A_98, %reduce_sum3A_99 [1] : vector<8x4096xf32> to vector<8xf32>
        %broadcast_in_dim3A_101 = vector.shape_cast %reduce_sum3A_100 : vector<8xf32> to vector<8x1xf32>
        %div3A = arith.constant 1.000000e+00 : f32
        %div3A_102 = vector.broadcast %div3A : f32 to vector<8x1xf32>
        %div3A_103 = arith.divf %div3A_102, %broadcast_in_dim3A_101 : vector<8x1xf32>
        %mul3A_104 = vector.broadcast %div3A_103 : vector<8x1xf32> to vector<8x4096xf32>
        %mul3A_105 = arith.mulf %scan3A_98, %mul3A_104 : vector<8x4096xf32>
        %get3A_106 = arith.constant 0 : index
        %get3A_107 = arith.constant 0 : index
        %get3A_108 = vector.load %arg9[%get3A_106, %get3A_107] : memref<8x4096xf32, #tpu.memory_space<vmem>>, vector<8x4096xf32>
        %add3A_109 = arith.addf %get3A_108, %mul3A_105 : vector<8x4096xf32>
        %swap3A_110 = arith.constant 0 : index
        %swap3A_111 = arith.constant 0 : index
        %swap3A_112 = vector.load %arg9[%swap3A_110, %swap3A_111] : memref<8x4096xf32, #tpu.memory_space<vmem>>, vector<8x4096xf32>
        tpu.vector_store %arg9[%swap3A_110, %swap3A_111], %add3A_109 {strides = array<i32>} : memref<8x4096xf32, #tpu.memory_space<vmem>>, vector<8x4096xf32>,
        %sub3A_113 = arith.constant 1.000000e+00 : f32
        %sub3A_114 = vector.broadcast %sub3A_113 : f32 to vector<8x4096xf32>
        %sub3A_115 = arith.subf %sub3A_114, %mul3A_105 : vector<8x4096xf32>
        %max3A = arith.constant 1.17549435E-38 : f32
        %max3A_116 = vector.broadcast %max3A : f32 to vector<8x4096xf32>
        %max3A_117 = arith.maximumf %sub3A_115, %max3A_116 : vector<8x4096xf32>
        %mul3A_118 = arith.mulf %scan3A_98, %max3A_117 : vector<8x4096xf32>
        scf.yield %mul3A_118 : vector<8x4096xf32>
      }
      %get3A_36 = arith.constant 0 : index
      %get3A_37 = arith.constant 0 : index
      %get3A_38 = vector.load %arg9[%get3A_36, %get3A_37] : memref<8x4096xf32, #tpu.memory_space<vmem>>, vector<8x4096xf32>
      %reduce_max3A_39 = arith.constant dense<0xFF800000> : vector<8xf32>
      %reduce_max3A_40 = vector.multi_reduction <maximumf>, %get3A_21, %reduce_max3A_39 [1] : vector<8x4096xf32> to vector<8xf32>
      %broadcast_in_dim3A_41 = vector.shape_cast %reduce_max3A_40 : vector<8xf32> to vector<8x1xf32>
      %sub3A_42 = vector.broadcast %broadcast_in_dim3A_41 : vector<8x1xf32> to vector<8x4096xf32>
      %sub3A_43 = arith.subf %get3A_21, %sub3A_42 : vector<8x4096xf32>
      %exp3A_44 = math.exp %sub3A_43 : vector<8x4096xf32>
      %reduce_sum3A = arith.constant dense<0.000000e+00> : vector<8xf32>
      %reduce_sum3A_45 = vector.multi_reduction <add>, %exp3A_44, %reduce_sum3A [1] : vector<8x4096xf32> to vector<8xf32>
      %broadcast_in_dim3A_46 = vector.shape_cast %reduce_sum3A_45 : vector<8xf32> to vector<8x1xf32>
      %log3A = math.log %broadcast_in_dim3A_46 : vector<8x1xf32>
      %add3A_47 = arith.addf %broadcast_in_dim3A_41, %log3A : vector<8x1xf32>
      %sub3A_48 = vector.broadcast %add3A_47 : vector<8x1xf32> to vector<8x4096xf32>
      %sub3A_49 = arith.subf %get3A_21, %sub3A_48 : vector<8x4096xf32>
      %bitcast_convert_type3A = tpu.bitcast %get3A_38 : vector<8x4096xf32> -> vector<8x4096xi32>
      %broadcast_in_dim3A_50 = arith.constant 0 : i32
      %broadcast_in_dim3A_51 = vector.broadcast %broadcast_in_dim3A_50 : i32 to vector<8x1xi32>
      %broadcast_in_dim3A_52 = arith.constant 2139095040 : i32
      %broadcast_in_dim3A_53 = vector.broadcast %broadcast_in_dim3A_52 : i32 to vector<8x1xi32>
      %scan3A_54 = arith.constant 0 : i32
      %scan3A_55 = arith.constant 31 : i32
      %scan3A_56 = arith.addi %scan3A_54, %scan3A_55 : i32
      %scan3A_57 = arith.constant 1 : i32
      %scan3A_58:2 = scf.for %scan3A_97 = %scan3A_54 to %scan3A_56 step %scan3A_57 iter_args(%scan3A_98 = %broadcast_in_dim3A_51, %scan3A_99 = %broadcast_in_dim3A_53) -> (vector<8x1xi32>, vector<8x1xi32>)  : i32 {
        %sub3A_100 = arith.subi %scan3A_99, %scan3A_98 : vector<8x1xi32>
        %jit3A_101 = arith.constant 2 : i32
        %div3A = vector.broadcast %jit3A_101 : i32 to vector<8x1xi32>
        %div3A_102 = arith.divsi %sub3A_100, %div3A : vector<8x1xi32>
        %sign3A = arith.constant 0 : i32
        %sign3A_103 = vector.broadcast %sign3A : i32 to vector<8x1xi32>
        %sign3A_104 = arith.cmpi sgt, %sub3A_100, %sign3A_103 : vector<8x1xi32>
        %sign3A_105 = arith.extui %sign3A_104 : vector<8x1xi1> to vector<8x1xi32>
        %sign3A_106 = arith.constant 0 : i32
        %sign3A_107 = vector.broadcast %sign3A_106 : i32 to vector<8x1xi32>
        %sign3A_108 = arith.cmpi slt, %sub3A_100, %sign3A_107 : vector<8x1xi32>
        %sign3A_109 = arith.extui %sign3A_108 : vector<8x1xi1> to vector<8x1xi32>
        %sign3A_110 = arith.subi %sign3A_105, %sign3A_109 : vector<8x1xi32>
        %sign3A_111 = arith.constant 0 : i32
        %sign3A_112 = arith.cmpi sgt, %jit3A_101, %sign3A_111 : i32
        %sign3A_113 = arith.extui %sign3A_112 : i1 to i32
        %sign3A_114 = arith.constant 0 : i32
        %sign3A_115 = arith.cmpi slt, %jit3A_101, %sign3A_114 : i32
        %sign3A_116 = arith.extui %sign3A_115 : i1 to i32
        %sign3A_117 = arith.subi %sign3A_113, %sign3A_116 : i32
        %ne3A = vector.broadcast %sign3A_117 : i32 to vector<8x1xi32>
        %ne3A_118 = arith.cmpi ne, %sign3A_110, %ne3A : vector<8x1xi32>
        %rem3A = vector.broadcast %jit3A_101 : i32 to vector<8x1xi32>
        %rem3A_119 = arith.remsi %sub3A_100, %rem3A : vector<8x1xi32>
        %ne3A_120 = arith.constant 0 : i32
        %ne3A_121 = vector.broadcast %ne3A_120 : i32 to vector<8x1xi32>
        %ne3A_122 = arith.cmpi ne, %rem3A_119, %ne3A_121 : vector<8x1xi32>
        %and3A_123 = arith.andi %ne3A_118, %ne3A_122 : vector<8x1xi1>
        %sub3A_124 = arith.constant 1 : i32
        %sub3A_125 = vector.broadcast %sub3A_124 : i32 to vector<8x1xi32>
        %sub3A_126 = arith.subi %div3A_102, %sub3A_125 : vector<8x1xi32>
        %select_n3A_127 = arith.select %and3A_123, %sub3A_126, %div3A_102 : vector<8x1xi1>, vector<8x1xi32>
        %add3A_128 = arith.addi %scan3A_98, %select_n3A_127 : vector<8x1xi32>
        %ge3A = vector.broadcast %add3A_128 : vector<8x1xi32> to vector<8x4096xi32>
        %ge3A_129 = arith.cmpi sge, %bitcast_convert_type3A, %ge3A : vector<8x4096xi32>
        %convert_element_type3A_130 = arith.extui %ge3A_129 : vector<8x4096xi1> to vector<8x4096xi32>
        %reduce_sum3A_131 = arith.constant dense<0> : vector<8xi32>
        %reduce_sum3A_132 = vector.multi_reduction <add>, %convert_element_type3A_130, %reduce_sum3A_131 [1] : vector<8x4096xi32> to vector<8xi32>
        %broadcast_in_dim3A_133 = vector.shape_cast %reduce_sum3A_132 : vector<8xi32> to vector<8x1xi32>
        %ge3A_134 = arith.constant 1000 : i32
        %ge3A_135 = vector.broadcast %ge3A_134 : i32 to vector<8x1xi32>
        %ge3A_136 = arith.cmpi sge, %broadcast_in_dim3A_133, %ge3A_135 : vector<8x1xi32>
        %select_n3A_137 = arith.select %ge3A_136, %add3A_128, %scan3A_98 : vector<8x1xi1>, vector<8x1xi32>
        %select_n3A_138 = arith.select %ge3A_136, %scan3A_99, %add3A_128 : vector<8x1xi1>, vector<8x1xi32>
        scf.yield %select_n3A_137, %select_n3A_138 : vector<8x1xi32>, vector<8x1xi32>
      }
      %gt3A = vector.broadcast %scan3A_58#0 : vector<8x1xi32> to vector<8x4096xi32>
      %gt3A_59 = arith.cmpi sgt, %bitcast_convert_type3A, %gt3A : vector<8x4096xi32>
      %eq3A_60 = vector.broadcast %scan3A_58#0 : vector<8x1xi32> to vector<8x4096xi32>
      %eq3A_61 = arith.cmpi eq, %bitcast_convert_type3A, %eq3A_60 : vector<8x4096xi32>
      %convert_element_type3A_62 = arith.extui %gt3A_59 : vector<8x4096xi1> to vector<8x4096xi32>
      %reduce_sum3A_63 = arith.constant dense<0> : vector<8xi32>
      %reduce_sum3A_64 = vector.multi_reduction <add>, %convert_element_type3A_62, %reduce_sum3A_63 [1] : vector<8x4096xi32> to vector<8xi32>
      %broadcast_in_dim3A_65 = vector.shape_cast %reduce_sum3A_64 : vector<8xi32> to vector<8x1xi32>
      %sub3A_66 = arith.constant 1000 : i32
      %sub3A_67 = vector.broadcast %sub3A_66 : i32 to vector<8x1xi32>
      %sub3A_68 = arith.subi %sub3A_67, %broadcast_in_dim3A_65 : vector<8x1xi32>
      %iota3A = tpu.iota {dimensions = array<i32: 1>} : vector<8x4096xi32>
      %broadcast_in_dim3A_69 = arith.constant -1 : i32
      %broadcast_in_dim3A_70 = vector.broadcast %broadcast_in_dim3A_69 : i32 to vector<8x1xi32>
      %broadcast_in_dim3A_71 = arith.constant 4095 : i32
      %broadcast_in_dim3A_72 = vector.broadcast %broadcast_in_dim3A_71 : i32 to vector<8x1xi32>
      %scan3A_73 = arith.constant 0 : i32
      %scan3A_74 = arith.constant 13 : i32
      %scan3A_75 = arith.addi %scan3A_73, %scan3A_74 : i32
      %scan3A_76 = arith.constant 1 : i32
      %scan3A_77:2 = scf.for %scan3A_97 = %scan3A_73 to %scan3A_75 step %scan3A_76 iter_args(%scan3A_98 = %broadcast_in_dim3A_70, %scan3A_99 = %broadcast_in_dim3A_72) -> (vector<8x1xi32>, vector<8x1xi32>)  : i32 {
        %sub3A_100 = arith.subi %scan3A_99, %scan3A_98 : vector<8x1xi32>
        %jit3A_101 = arith.constant 2 : i32
        %div3A = vector.broadcast %jit3A_101 : i32 to vector<8x1xi32>
        %div3A_102 = arith.divsi %sub3A_100, %div3A : vector<8x1xi32>
        %sign3A = arith.constant 0 : i32
        %sign3A_103 = vector.broadcast %sign3A : i32 to vector<8x1xi32>
        %sign3A_104 = arith.cmpi sgt, %sub3A_100, %sign3A_103 : vector<8x1xi32>
        %sign3A_105 = arith.extui %sign3A_104 : vector<8x1xi1> to vector<8x1xi32>
        %sign3A_106 = arith.constant 0 : i32
        %sign3A_107 = vector.broadcast %sign3A_106 : i32 to vector<8x1xi32>
        %sign3A_108 = arith.cmpi slt, %sub3A_100, %sign3A_107 : vector<8x1xi32>
        %sign3A_109 = arith.extui %sign3A_108 : vector<8x1xi1> to vector<8x1xi32>
        %sign3A_110 = arith.subi %sign3A_105, %sign3A_109 : vector<8x1xi32>
        %sign3A_111 = arith.constant 0 : i32
        %sign3A_112 = arith.cmpi sgt, %jit3A_101, %sign3A_111 : i32
        %sign3A_113 = arith.extui %sign3A_112 : i1 to i32
        %sign3A_114 = arith.constant 0 : i32
        %sign3A_115 = arith.cmpi slt, %jit3A_101, %sign3A_114 : i32
        %sign3A_116 = arith.extui %sign3A_115 : i1 to i32
        %sign3A_117 = arith.subi %sign3A_113, %sign3A_116 : i32
        %ne3A = vector.broadcast %sign3A_117 : i32 to vector<8x1xi32>
        %ne3A_118 = arith.cmpi ne, %sign3A_110, %ne3A : vector<8x1xi32>
        %rem3A = vector.broadcast %jit3A_101 : i32 to vector<8x1xi32>
        %rem3A_119 = arith.remsi %sub3A_100, %rem3A : vector<8x1xi32>
        %ne3A_120 = arith.constant 0 : i32
        %ne3A_121 = vector.broadcast %ne3A_120 : i32 to vector<8x1xi32>
        %ne3A_122 = arith.cmpi ne, %rem3A_119, %ne3A_121 : vector<8x1xi32>
        %and3A_123 = arith.andi %ne3A_118, %ne3A_122 : vector<8x1xi1>
        %sub3A_124 = arith.constant 1 : i32
        %sub3A_125 = vector.broadcast %sub3A_124 : i32 to vector<8x1xi32>
        %sub3A_126 = arith.subi %div3A_102, %sub3A_125 : vector<8x1xi32>
        %select_n3A_127 = arith.select %and3A_123, %sub3A_126, %div3A_102 : vector<8x1xi1>, vector<8x1xi32>
        %add3A_128 = arith.addi %scan3A_98, %select_n3A_127 : vector<8x1xi32>
        %le3A_129 = vector.broadcast %add3A_128 : vector<8x1xi32> to vector<8x4096xi32>
        %le3A_130 = arith.cmpi sle, %iota3A, %le3A_129 : vector<8x4096xi32>
        %and3A_131 = arith.andi %eq3A_61, %le3A_130 : vector<8x4096xi1>
        %convert_element_type3A_132 = arith.extui %and3A_131 : vector<8x4096xi1> to vector<8x4096xi32>
        %reduce_sum3A_133 = arith.constant dense<0> : vector<8xi32>
        %reduce_sum3A_134 = vector.multi_reduction <add>, %convert_element_type3A_132, %reduce_sum3A_133 [1] : vector<8x4096xi32> to vector<8xi32>
        %broadcast_in_dim3A_135 = vector.shape_cast %reduce_sum3A_134 : vector<8xi32> to vector<8x1xi32>
        %ge3A = arith.cmpi sge, %broadcast_in_dim3A_135, %sub3A_68 : vector<8x1xi32>
        %select_n3A_136 = arith.select %ge3A, %scan3A_98, %add3A_128 : vector<8x1xi1>, vector<8x1xi32>
        %select_n3A_137 = arith.select %ge3A, %add3A_128, %scan3A_99 : vector<8x1xi1>, vector<8x1xi32>
        scf.yield %select_n3A_136, %select_n3A_137 : vector<8x1xi32>, vector<8x1xi32>
      }
      %gt3A_78 = arith.constant 0 : i32
      %gt3A_79 = vector.broadcast %gt3A_78 : i32 to vector<8x1xi32>
      %gt3A_80 = arith.cmpi sgt, %sub3A_68, %gt3A_79 : vector<8x1xi32>
      %jit3A = arith.constant -1 : i32
      %broadcast_in_dim3A_81 = vector.broadcast %jit3A : i32 to vector<8x1xi32>
      %select_n3A = arith.select %gt3A_80, %scan3A_77#1, %broadcast_in_dim3A_81 : vector<8x1xi1>, vector<8x1xi32>
      %le3A = vector.broadcast %select_n3A : vector<8x1xi32> to vector<8x4096xi32>
      %le3A_82 = arith.cmpi sle, %iota3A, %le3A : vector<8x4096xi32>
      %and3A = arith.andi %eq3A_61, %le3A_82 : vector<8x4096xi1>
      %or3A = arith.ori %gt3A_59, %and3A : vector<8x4096xi1>
      %sub3A_83 = arith.constant 1.000000e+00 : f32
      %sub3A_84 = vector.broadcast %sub3A_83 : f32 to vector<8x4096xf32>
      %sub3A_85 = arith.subf %sub3A_84, %get3A_38 : vector<8x4096xf32>
      %add3A_86 = arith.addf %sub3A_85, %get3A_38 : vector<8x4096xf32>
      %mul3A_87 = arith.mulf %add3A_86, %sub3A_49 : vector<8x4096xf32>
      %jit3A_88 = arith.constant 0.000000e+00 : f32
      %broadcast_in_dim3A_89 = vector.broadcast %jit3A_88 : f32 to vector<8x4096xf32>
      %select_n3A_90 = arith.select %or3A, %mul3A_87, %broadcast_in_dim3A_89 : vector<8x4096xi1>, vector<8x4096xf32>
      %reduce_sum3A_91 = arith.constant dense<0.000000e+00> : vector<8xf32>
      %reduce_sum3A_92 = vector.multi_reduction <add>, %select_n3A_90, %reduce_sum3A_91 [1] : vector<8x4096xf32> to vector<8xf32>
      %broadcast_in_dim3A_93 = vector.shape_cast %reduce_sum3A_92 : vector<8xf32> to vector<8x1xf32>
      %swap3A_94 = arith.constant 0 : index
      %swap3A_95 = arith.constant 0 : index
      %swap3A_96 = vector.load %arg6[%swap3A_94, %swap3A_95] : memref<8x1xf32, #tpu.memory_space<vmem>>, vector<8x1xf32>
      tpu.vector_store %arg6[%swap3A_94, %swap3A_95], %broadcast_in_dim3A_93 {strides = array<i32>} : memref<8x1xf32, #tpu.memory_space<vmem>>, vector<8x1xf32>,
    } else {
    }
    return
  }
  func.func @transform_0(%arg0: i32) -> (i32, i32) {
    %c0_i32 = arith.constant 0 : i32
    %c0_i32_0 = arith.constant 0 : i32
    %c0_i32_1 = arith.constant 0 : i32
    return %c0_i32, %c0_i32_0 : i32, i32
  }
  func.func @transform_1(%arg0: i32) -> (i32, i32, i32) {
    %c0_i32 = arith.constant 0 : i32
    %c0_i32_0 = arith.constant 0 : i32
    %c0_i32_1 = arith.constant 0 : i32
    %c0_i32_2 = arith.constant 0 : i32
    return %c0_i32, %c0_i32_0, %c0_i32_1 : i32, i32, i32
  }
  func.func @transform_2(%arg0: i32) -> (i32, i32) {
    %c0_i32 = arith.constant 0 : i32
    %c0_i32_0 = arith.constant 0 : i32
    %c0_i32_1 = arith.constant 0 : i32
    return %c0_i32, %c0_i32_0 : i32, i32
  }
  func.func @transform_3(%arg0: i32) -> (i32, i32) {
    %c0_i32 = arith.constant 0 : i32
    %c0_i32_0 = arith.constant 0 : i32
    return %c0_i32, %arg0 : i32, i32
  }
  func.func @transform_4(%arg0: i32) -> (i32, i32) {
    %c0_i32 = arith.constant 0 : i32
    %c0_i32_0 = arith.constant 0 : i32
    return %c0_i32, %arg0 : i32, i32
  }
  func.func @transform_5(%arg0: i32) -> (i32, i32) {
    %c0_i32 = arith.constant 0 : i32
    %c0_i32_0 = arith.constant 0 : i32
    %c0_i32_1 = arith.constant 0 : i32
    return %c0_i32, %c0_i32_0 : i32, i32
  }
}

</mosaic_0001>

<sc_bundles>
// kernel: kernel.4.cloned.1.call-start
scs
__scs_entry_jumppad:
0x0: {  	(pc) =	sbr.rel $0x88, $3  }
0x1: {  	(tag) =	ssettag $0x0;
	lr =	simm.s32 $0x1  }
0x2: {  	[smem:$0x3F9C] =	sst lr;
	_ =	strace $0xD0000000  }
0x3: {  	_ = 	snop  }
0x4: {  	_ = 	snop  }
0x5: {  	_ = 	snop  }
0x6: {  	_ = 	snop  }
0x7: {  	_ = 	snop  }
__scs_overlays_trampoline_lowered:
0x8: {  	[smem:$0x3FAB] =	sst s0  }
0x9: {  	[smem:$0x3FAC] =	sst s1  }
0xa: {  	[smem:$0x3FAD] =	sst s2  }
0xb: {  	[smem:$0x3FAE] =	sst s3  }
0xc: {  	[smem:$0x3FAF] =	sst s4  }
0xd: {  	[smem:$0x3FB0] =	sst s5  }
0xe: {  	[smem:$0x3FB1] =	sst s6  }
0xf: {  	[smem:$0x3FB2] =	sst s7  }
0x10: {  	[smem:$0x3FB3] =	sst s8  }
0x11: {  	[smem:$0x3FB4] =	sst s9;
	s0 =	simm.s32 @!p0 $0x0  }
0x12: {  	s1 =	sld [smem:$0x3F9A];
	s0 =	simm.s32 @p0 $0x1  }
0x13: {  	[smem:$0x3FB5] =	sst s0;
	s0 =	simm.s32 @!p1 $0x0  }
0x14: {  	s2 =	sld [smem:$0x3F99];
	s0 =	simm.s32 @p1 $0x1  }
0x15: {  	[smem:$0x3FB6] =	sst s0;
	s0 =	simm.s32 @!p2 $0x0  }
0x16: {  	s3 =	sld [smem:$0x3FDB];
	s0 =	simm.s32 @p2 $0x1  }
0x17: {  	s4 =	simm.s32 $0x1BF5;
	[smem:$0x3FB8] =	sst s0  }
0x18: {  	s0 =	sld [smem:$0x3F9B];
	_ =	swait.ge [sflag:s4], $0x0  }
0x19: {  	s7 =	sld [smem:$0x3F9C]  }
0x1a: {  	s8 =	sadd.s32 $0xFFFFE003, lr  }
0x1b: {  	s9 =	sadd.s32 $0xFFFFFEF7, lr;
	s5 =	simm.s32 $0xFFFFFFFF;
	p2 =	slt.u32 s8, $0xFFFFF086  }
0x1c: {  	p1 =	slt.u32 s9, $0xF7A;
	s5 =	simm.s32 @!p2 $0x0  }
0x1d: {  	s5 =	simm.s32 @p1 $0x1;
	p0 =	seq.s32 s7, s2  }
0x1e: {  	s7 =	smul.u32 @!p0 $0xF7A, s2;
	p2 =	seq.s32 @!p0 s5, $0x0  }
0x1f: {  	s9 =	smul.u32 $0xF7A, s1;
	s8 =	simm.s32 @!p0 $0x1BF5;
	p2 =	por !p2, p0  }
0x20: {  	[sflag:s8] =	ssyncset.s32 @!p0 $0xFFFFF086;
	s6 =	sadd.s32 @!p0 s3, s7;
	s7 =	simm.s32 @!p0 $0x108  }
0x21: {  	s3 =	sadd.s32 s3, s9;
	s6 =	sadd.s32 @!p0 $0x88, s6;
	s7 =	simm.s32 @p2 $0x1082  }
0x22: {  	[simem:s7], [sflag:s8] =	dma.local @!p0 [hbm:s6], $0xF7A  }
0x23: {  	s9 =	sor.u32 $0xD0000000, s2;
	s6 =	simm.s32 $0x108;
	_ =	swait.ge @!p0 [sflag:s8], $0x0  }
0x24: {  	s3 =	sadd.s32 $0x88, s3;
	s6 =	simm.s32 @!p1 $0x1082;
	[sflag:s4] =	ssyncset.s32 $0xFFFFF086  }
0x25: {  	[simem:s6], [sflag:s4] =	dma.local [hbm:s3], $0xF7A  }
0x26: {  	[smem:$0x3F9C] =	sst s1;
	(tag) =	ssettag s2;
	_ =	strace s9  }
0x27: {  	s1 =	sld [smem:$0x3FAC]  }
0x28: {  	s2 =	sld [smem:$0x3FAD]  }
0x29: {  	s4 =	sld [smem:$0x3FAF]  }
0x2a: {  	p0 =	seq.s32 s5, $0x0;
	s5 =	sld [smem:$0x3FB0]  }
0x2b: {  	s6 =	sld [smem:$0x3FB1]  }
0x2c: {  	s7 =	sld [smem:$0x3FB2]  }
0x2d: {  	s3 =	simm.s32 $0x108;
	s8 =	sld [smem:$0x3FB3]  }
0x2e: {  	s3 =	simm.s32 @!p0 $0x1082;
	s9 =	sld [smem:$0x3FB4]  }
0x2f: {  	lr =	sadd.s32 s0, s3;
	s0 =	sld [smem:$0x3FAB]  }
0x30: {  	s3 =	sld [smem:$0x3FAE]  }
0x31: {  	[smem:$0x3FB7] =	sst s10  }
0x32: {  	s10 =	sld [smem:$0x3FB5];
	_ =	sdelay $0x3  }
0x33: {  	p0 =	seq.s32 s10, $0x1;
	s10 =	sld [smem:$0x3FB7];
	_ =	sdelay $0x3  }
0x34: {  	[smem:$0x3FB7] =	sst s10  }
0x35: {  	s10 =	sld [smem:$0x3FB6];
	_ =	sdelay $0x3  }
0x36: {  	p1 =	seq.s32 s10, $0x1;
	s10 =	sld [smem:$0x3FB7];
	_ =	sdelay $0x3  }
0x37: {  	[smem:$0x3FB7] =	sst s10  }
0x38: {  	s10 =	sld [smem:$0x3FB8]  }
0x39: {  	_ = 	snop;
	(pc) =	sbr.ind lr, $3  }
0x3a: {  	_ = 	snop  }
0x3b: {  	_ = 	snop  }
0x3c: {  	p2 =	seq.s32 s10, $0x1;
	s10 =	sld [smem:$0x3FB7]  }
0x3d: {  	_ =	shalt  }
0x3e: {  	_ =	shalt  }
0x3f: {  	_ =	shalt  }
0x40: {  	_ =	shalt  }
0x41: {  	_ =	shalt  }
0x42: {  	_ =	shalt  }
0x43: {  	_ =	shalt  }
0x44: {  	_ =	shalt  }
0x45: {  	_ =	shalt  }
0x46: {  	_ =	shalt  }
0x47: {  	_ =	shalt  }
0x48: {  	_ =	shalt  }
0x49: {  	_ =	shalt  }
0x4a: {  	_ =	shalt  }
0x4b: {  	_ =	shalt  }
0x4c: {  	_ =	shalt  }
0x4d: {  	_ =	shalt  }
0x4e: {  	_ =	shalt  }
0x4f: {  	_ =	shalt  }
0x50: {  	_ =	shalt  }
0x51: {  	_ =	shalt  }
0x52: {  	_ =	shalt  }
0x53: {  	_ =	shalt  }
0x54: {  	_ =	shalt  }
0x55: {  	_ =	shalt  }
0x56: {  	_ =	shalt  }
0x57: {  	_ =	shalt  }
0x58: {  	_ =	shalt  }
0x59: {  	_ =	shalt  }
0x5a: {  	_ =	shalt  }
0x5b: {  	_ =	shalt  }
0x5c: {  	_ =	shalt  }
0x5d: {  	_ =	shalt  }
0x5e: {  	_ =	shalt  }
0x5f: {  	_ =	shalt  }
0x60: {  	_ =	shalt  }
0x61: {  	_ =	shalt  }
0x62: {  	_ =	shalt  }
0x63: {  	_ =	shalt  }
0x64: {  	_ =	shalt  }
0x65: {  	_ =	shalt  }
0x66: {  	_ =	shalt  }
0x67: {  	_ =	shalt  }
0x68: {  	_ =	shalt  }
0x69: {  	_ =	shalt  }
0x6a: {  	_ =	shalt  }
0x6b: {  	_ =	shalt  }
0x6c: {  	_ =	shalt  }
0x6d: {  	_ =	shalt  }
0x6e: {  	_ =	shalt  }
0x6f: {  	_ =	shalt  }
0x70: {  	_ =	shalt  }
0x71: {  	_ =	shalt  }
0x72: {  	_ =	shalt  }
0x73: {  	_ =	shalt  }
0x74: {  	_ =	shalt  }
0x75: {  	_ =	shalt  }
0x76: {  	_ =	shalt  }
0x77: {  	_ =	shalt  }
0x78: {  	_ =	shalt  }
0x79: {  	_ =	shalt  }
0x7a: {  	_ =	shalt  }
0x7b: {  	_ =	shalt  }
0x7c: {  	_ =	shalt  }
0x7d: {  	_ =	shalt  }
0x7e: {  	_ =	shalt  }
0x7f: {  	_ =	shalt  }
0x80: {  	_ =	shalt  }
0x81: {  	_ =	shalt  }
0x82: {  	_ =	shalt  }
0x83: {  	_ =	shalt  }
0x84: {  	_ =	shalt  }
0x85: {  	_ =	shalt  }
0x86: {  	_ =	shalt  }
0x87: {  	_ =	shalt  }
.Lfunc_end0:
.L_simem_size_0:
called_computation_lowered:
.L_overlay_start_0:
0x88: {  	s2 =	sld [smem:$0x3FD9]  }
0x89: {  	s3 =	sld [smem:$0x3FFE];
	_ =	sdelay $0x1  }
0x8a: {  	s1 =	srdreg.scid  }
0x8b: {  	s0 =	sand.u32 $0x1, s1  }
0x8c: {  	s14 =	sshll.u32 s0, $0xA;
	s2 =	sadd.s32 s3, s2  }
0x8d: {  	s2 =	sadd.s32 s2, s14  }
0x8e: {  	[smem:$0x3FC3] =	sst s2  }
0x8f: {  	_ = 	snop  }
0x90: {  	s2 =	sld [smem:$0x3FD0];
	_ =	sdelay $0x2  }
0x91: {  	s4 =	simm.s32 $0xA;
	s5 =	simm.s32 $0x10;
	s15 =	sld [smem:$0x3FC6]  }
0x92: {  	[smem:s5], [sflag:s4] =	dma.local [hbm:s2], $0x1  }
0x93: {  	_ =	swait.eq [sflag:s4], $0x1  }
0x94: {  	[sflag:s4] =	ssyncset.done $0x0  }
0x95: {  	[sflag:s4] =	ssyncadd.s32 $0xFFFFFFFF  }
0x96: {  	s16 =	sld [smem:$0x11];
	(tm) =	ssettm $0x1  }
0x97: {  	s17 =	sld [smem:$0x3FFB];
	_ =	sdelay $0x3  }
0x98: {  	_ =	strace s17  }
0x99: {  	s4 =	sld [smem:$0x3FFC];
	_ =	sdelay $0x3  }
0x9a: {  	_ =	strace s4  }
0x9b: {  	s4 =	sld [smem:$0x3FFD];
	_ =	sdelay $0x3  }
0x9c: {  	_ =	strace s4  }
0x9d: {  	_ =	strace $0x8FFFFFFF  }
0x9e: {  	s18 =	sld [smem:$0x3FDB];
	_ =	sdelay $0x1  }
0x9f: {  	s19 =	simm.s32 $_scs_section_size  }
0xa0: {  	s6 =	simm.s32 $_size__tile_overlayer_lowered;
	s7 =	simm.s32 $_tile_overlayer_lowered  }
0xa1: {  	s22 =	simm.s32 $0x1BFF;
	s21 =	sshll.u32 s7, $0x1;
	s4 =	sadd.s32 s19, s18  }
0xa2: {  	s8 =	simm.s32 $0x0;
	s20 =	sshll.u32 s6, $0x1;
	s6 =	sadd.s32 s21, s4  }
0xa3: {  	[timem:s8], [sflag:s22] =	dma.local [hbm:s6], s20  }
0xa4: {  	_ =	swait.ge [sflag:s22], s20  }
0xa5: {  	s5 =	ssub.s32 $0x0, s20;
	[sflag:s22] =	ssyncset.done $0x0  }
0xa6: {  	[sflag:s22] =	ssyncadd.s32 s5;
	_ =	sdelay $0x1  }
0xa7: {  	s23 =	simm.s32 $0x1B8B  }
0xa8: {  	_ =	swait.ge [sflag:s23], $0x1  }
0xa9: {  	[sflag:s23] =	ssyncset.done $0x0  }
0xaa: {  	s25 =	simm.s32 $0x1B8E;
	s24 =	sld [smem:$0x3FFE];
	[sflag:s23] =	ssyncadd.s32 $0xFFFFFFFF  }
0xab: {  	s26 =	simm.s32 $execute0_lowered;
	[smem:$0x3FD2] =	sst s25  }
0xac: {  	s6 =	sshll.u32 s26, $0x1;
	_ =	strace $0x80000046;
	[dreg:$0x1] =	wrdreg $0xFFFFFFFF  }
0xad: {  	s28 =	simm.s32 $_size_execute0_lowered;
	s4 =	sadd.s32 s4, s6;
	[dreg:$0x0] =	wrdreg $0x0  }
0xae: {  	s6 =	sshll.u32 s28, $0x1;
	[dreg:$0x2] =	wrdreg s4  }
0xaf: {  	[dreg:$0x3] =	wrdreg s6  }
0xb0: {  	[dreg:$0x4] =	wrdreg $0xC0  }
0xb1: {  	_ =	task [dreg:s8], $0x5FFFF  }
0xb2: {  	[dreg:$0x1] =	wrdreg $0xFFFFFFFF  }
0xb3: {  	[dreg:$0x0] =	wrdreg $0x60  }
0xb4: {  	[dreg:$0x2] =	wrdreg s15  }
0xb5: {  	[dreg:$0x3] =	wrdreg s16  }
0xb6: {  	[dreg:$0x4] =	wrdreg s24  }
0xb7: {  	[dreg:$0x5] =	wrdreg $0x9  }
0xb8: {  	_ =	task.clear_ibuf [dreg:s8], $0x6FFFF;
	_ =	strace $0x90000046  }
0xb9: {  	s29 =	simm.s32 $0x9;
	_ =	strace $0x80000048  }
0xba: {  	_ =	swait.ge [sflag:s29], $0x1  }
0xbb: {  	[sflag:s29] =	ssyncadd.s32 $0xFFFFFFFF  }
0xbc: {  	_ =	strace $0x90000048  }
0xbd: {  	_ =	sfence  }
0xbe: {  	s30 =	sld [smem:$0x0];
	_ =	sdelay $0x2  }
0xbf: {  	s31 =	sshll.u32 s1, $0xD;
	s1 =	sshrl.u32 s1, $0x2  }
0xc0: {  	s3 =	sand.u32 $0x4000, s31;
	s1 =	sadd.s32 s1, s30  }
0xc1: {  	s0 =	sor.u32 s3, s0;
	s1 =	sshll.u32 s1, $0x11  }
0xc2: {  	s0 =	sor.u32 s1, s0  }
0xc3: {  	s0 =	sadd.s32 $0x8F2B, s0  }
0xc4: {  	[sflag:s0] =	ssyncadd.remote.s32 $0x1  }
0xc5: {  	_ =	sfence.sel $0xFFFF  }
0xc6: {  	[dreg:$0x0] =	wrdreg $0xFFFFFFFF;
	(pc) =	sbr.abs _section_cstart, $3  }
0xc7: {  	[dreg:$0x1] =	wrdreg $0xFFFFFFFF  }
0xc8: {  	_ =	task.clear_ibuf [dreg:s8], $0x2FFFF;
	_ =	strace $0x9FFFFFFF  }
0xc9: {  	(tm) =	ssettm $0x7FFFFFFF  }
tec
execute0_lowered:
.L_overlay_start_1:
0x0: {  	(tag) =	ssettag $0x1  }
0x1: {  	s1 =	rddreg [dreg:$0x0];
	s2 =	srdreg.scid  }
0x2: {  	s4 =	rddreg [dreg:$0x1];
	s0 =	stileid.u32;
	s16 =	sand.u32 $0x1, s2  }
0x3: {  	s18 =	rddreg [dreg:$0x2];
	s5 =	sshll.u32 s0, $0x5;
	s6 =	sshll.u32 s16, $0x4  }
0x4: {  	s3 =	simm.s32 $0x0;
	s2 =	rddreg [dreg:$0x3];
	s19 =	sor.u32 s6, s5  }
0x5: {  	[smem:$0x7FF] =	sst s3;
	s5 =	sshrl.u32 s19, $0x3  }
0x6: {  	_ =	strace $0x80000047;
	s5 =	sadd.s32 s4, s5;
	s4 =	simm.s32 $0x2  }
0x7: {  	[tilespmem:s3], [sflag:$0x2] =	stream.linear.gather [hbm4b:s5+s3], $0x10, $0x38;
	[tilespmem:$0x4080] =	vst v63  }
0x8: {  	_ =	swait.ge [sflag:s4], $0x10  }
0x9: {  	[sflag:s4] =	ssyncset.done $0x0  }
0xa: {  	[sflag:s4] =	ssyncadd.s32 $0xFFFFFFF0  }
0xb: {  	v0 =	vld [tilespmem:$0x0];
	_ =	sdelay $0x4  }
0xc: {  	v1 =	vshll.u32 v0, $0x3  }
0xd: {  	v2 =	vlaneseq.u32;
	v3 =	vand.u32 $0x7, v0;
	v1 =	vand.u32 $0xFFFFFFC0, v1  }
0xe: {  	v4 =	vshrl.u32 v2, $0x3;
	v0 =	vand.u32 $0x7, v2;
	v3 =	vor.u32 v3, v1  }
0xf: {  	v1 =	vmul.u32 $0x8, v4;
	v63 =	vperm.xlane v3, v0;
	_ =	sdelay $0x1  }
0x10: {  	v4 =	vadd.s32 v1, v63;
	_ =	sdelay $0x3  }
0x11: {  	vm0 =	vmmov $0xffff;
	s6 =	simm.s32 $0x80  }
0x12: {  	v2 =	vor.u32 $0x8, v2;
	[tilespmem:s6], [sflag:$0x1] =	stream.indirect_vreg.gather [hbm4b:s1+s3], $0x80, v4, vm0, $0xb8;
	[tilespmem:$0x4080] =	vst v63  }
0x13: {  	s8 =	simm.s32 $0x880;
	s7 =	sadd.s32 $0x100, s1;
	v3 =	vperm.xlane v3, v2  }
0x14: {  	[tilespmem:s8], [sflag:$0x1] =	stream.indirect_vreg.gather [hbm4b:s7+s3], $0x80, v4, vm0, $0xb8;
	[tilespmem:$0x4080] =	vst v63  }
0x15: {  	s10 =	simm.s32 $0x1080;
	s9 =	sadd.s32 $0x200, s1;
	v3 =	vadd.s32 v1, v3  }
0x16: {  	[tilespmem:s10], [sflag:$0x1] =	stream.indirect_vreg.gather [hbm4b:s9+s3], $0x80, v4, vm0, $0xb8;
	[tilespmem:$0x4080] =	vst v63  }
0x17: {  	s12 =	simm.s32 $0x1880;
	s11 =	sadd.s32 $0x300, s1  }
0x18: {  	[tilespmem:s12], [sflag:$0x1] =	stream.indirect_vreg.gather [hbm4b:s11+s3], $0x80, v4, vm0, $0xb8;
	[tilespmem:$0x4080] =	vst v63  }
0x19: {  	s13 =	simm.s32 $0x2080;
	s20 =	ssub.s32 $0x2, s16  }
0x1a: {  	[tilespmem:s13], [sflag:$0x1] =	stream.indirect_vreg.gather [hbm4b:s1+s3], $0x80, v3, vm0, $0xb8;
	[tilespmem:$0x4080] =	vst v63  }
0x1b: {  	s14 =	simm.s32 $0x2880;
	s15 =	simm.s32 $0x3080;
	s21 =	sshrl.u32 s20, $0x1  }
0x1c: {  	[tilespmem:s14], [sflag:$0x1] =	stream.indirect_vreg.gather [hbm4b:s7+s3], $0x80, v3, vm0, $0xb8;
	[tilespmem:$0x4080] =	vst v63  }
0x1d: {  	s17 =	simm.s32 $0x1;
	s19 =	sshll.u32 s19, $0x7;
	s31 =	ssub.s32 s20, s21  }
0x1e: {  	[tilespmem:s15], [sflag:$0x1] =	stream.indirect_vreg.gather [hbm4b:s9+s3], $0x80, v3, vm0, $0xb8;
	[tilespmem:$0x4080] =	vst v63  }
0x1f: {  	s16 =	simm.s32 $0x3880;
	s18 =	sadd.s32 s19, s18;
	s19 =	smax.u32 s31, $0x1  }
0x20: {  	[tilespmem:s16], [sflag:$0x1] =	stream.indirect_vreg.gather [hbm4b:s11+s3], $0x80, v3, vm0, $0xb8;
	[tilespmem:$0x4080] =	vst v63  }
0x21: {  	p0 =	sne.s32 s19, $0x1;
	_ =	swait.ge [sflag:s17], $0x4000  }
.Ltmp0:
0x22: {  	[sflag:s17] =	ssyncset.done $0x0;
	(pc) =	sbr.rel @!p0 .LBB2_2-.Ltmp0, $4  }
0x23: {  	s18 =	sadd.s32 $0xA00, s18;
	[sflag:s17] =	ssyncadd.s32 $0xFFFFC000  }
0x24: {  	[hbm4b:s18+s3] =	stream.linear.scatter [tilespmem:s6], [sflag:$0x2], $0x4000, $0x38;
	[tilespmem:$0x4080] =	vst v63  }
0x25: {  	_ =	swait.ge [sflag:s4], $0x4000  }
0x26: {  	s19 =	sadd.s32 $0xFFFFFFFF, s19;
	[sflag:s4] =	ssyncset.done $0x0  }
.LBB2_1:
0x27: {  	p0 =	sne.s32 s19, $0x1;
	s19 =	sadd.s32 $0xFFFFFFFF, s19;
	[sflag:s4] =	ssyncadd.s32 $0xFFFFC000  }
0x28: {  	[tilespmem:s3], [sflag:$0x2] =	stream.linear.gather [hbm4b:s5+s3], $0x10, $0x38;
	[tilespmem:$0x4080] =	vst v63  }
0x29: {  	_ =	swait.ge [sflag:s4], $0x10  }
0x2a: {  	[sflag:s4] =	ssyncset.done $0x0  }
0x2b: {  	[sflag:s4] =	ssyncadd.s32 $0xFFFFFFF0  }
0x2c: {  	v3 =	vld [tilespmem:$0x0];
	_ =	sdelay $0x4  }
0x2d: {  	v4 =	vshll.u32 v3, $0x3  }
0x2e: {  	v3 =	vand.u32 $0x7, v3;
	v4 =	vand.u32 $0xFFFFFFC0, v4  }
0x2f: {  	v3 =	vor.u32 v3, v4  }
0x30: {  	v4 =	vperm.xlane v3, v0;
	v3 =	vperm.xlane v3, v2;
	_ =	sdelay $0x1  }
0x31: {  	v4 =	vadd.s32 v1, v4;
	_ =	sdelay $0x4  }
0x32: {  	[tilespmem:s6], [sflag:$0x1] =	stream.indirect_vreg.gather [hbm4b:s1+s3], $0x80, v4, vm0, $0xb8;
	[tilespmem:$0x4080] =	vst v63  }
0x33: {  	_ = 	snop  }
0x34: {  	[tilespmem:s8], [sflag:$0x1] =	stream.indirect_vreg.gather [hbm4b:s7+s3], $0x80, v4, vm0, $0xb8;
	[tilespmem:$0x4080] =	vst v63  }
0x35: {  	v3 =	vadd.s32 v1, v3  }
0x36: {  	[tilespmem:s10], [sflag:$0x1] =	stream.indirect_vreg.gather [hbm4b:s9+s3], $0x80, v4, vm0, $0xb8;
	[tilespmem:$0x4080] =	vst v63  }
0x37: {  	_ = 	snop  }
0x38: {  	[tilespmem:s12], [sflag:$0x1] =	stream.indirect_vreg.gather [hbm4b:s11+s3], $0x80, v4, vm0, $0xb8;
	[tilespmem:$0x4080] =	vst v63  }
0x39: {  	_ = 	snop  }
0x3a: {  	[tilespmem:s13], [sflag:$0x1] =	stream.indirect_vreg.gather [hbm4b:s1+s3], $0x80, v3, vm0, $0xb8;
	[tilespmem:$0x4080] =	vst v63  }
0x3b: {  	_ = 	snop  }
0x3c: {  	[tilespmem:s14], [sflag:$0x1] =	stream.indirect_vreg.gather [hbm4b:s7+s3], $0x80, v3, vm0, $0xb8;
	[tilespmem:$0x4080] =	vst v63  }
0x3d: {  	_ = 	snop  }
0x3e: {  	[tilespmem:s15], [sflag:$0x1] =	stream.indirect_vreg.gather [hbm4b:s9+s3], $0x80, v3, vm0, $0xb8;
	[tilespmem:$0x4080] =	vst v63  }
0x3f: {  	_ = 	snop  }
0x40: {  	[tilespmem:s16], [sflag:$0x1] =	stream.indirect_vreg.gather [hbm4b:s11+s3], $0x80, v3, vm0, $0xb8;
	[tilespmem:$0x4080] =	vst v63  }
0x41: {  	_ =	swait.ge [sflag:s17], $0x4000  }
.Ltmp1:
0x42: {  	[sflag:s17] =	ssyncset.done $0x0;
	(pc) =	sbr.rel @p0 .LBB2_1-.Ltmp1, $4  }
0x43: {  	[sflag:s17] =	ssyncadd.s32 $0xFFFFC000  }
0x44: {  	[hbm4b:s18+s3] =	stream.linear.scatter [tilespmem:s6], [sflag:$0x2], $0x4000, $0x38;
	[tilespmem:$0x4080] =	vst v63  }
0x45: {  	_ =	swait.ge [sflag:s4], $0x4000  }
0x46: {  	[sflag:s4] =	ssyncset.done $0x0  }
.LBB2_2:
0x47: {  	[sflag:s4] =	ssyncadd.s32 $0xFFFFC000  }
0x48: {  	_ =	sfence.sel $0x180000  }
0x49: {  	[bflag:$0x0] =	sbarrier.arrive $0xFFFF  }
0x4a: {  	p0 =	sne.s32 s0, $0x0;
	_ =	strace $0x90000047  }
0x4b: {  	s0 =	sadd.s32 @!p0 $0x100000, s2;
	[bflag:$0x2] =	sbarrier.arrive $0xFFFF  }
0x4c: {  	[sflag:s0] =	ssyncadd.tile.s32 @!p0 $0x1;
	_ =	shalt  }
.Lfunc_end2:
_tile_overlayer_lowered:
.L_overlay_start_2:
0x4d: {  	(tag) =	ssettag $0x2  }
0x4e: {  	s0 =	rddreg [dreg:$0x0];
	s2 =	stileid.u32  }
0x4f: {  	s1 =	rddreg [dreg:$0x1];
	p0 =	sne.s32 s2, $0x0  }
0x50: {  	s3 =	rddreg [dreg:$0x2];
	[bflag:$0x3] =	sbarrier.arrive $0xFFFF;
	s2 =	simm.s32 @!p0 $0x1C02  }
0x51: {  	[timem:s3], [sflag:s2] =	dma.local @!p0 [hbm:s0], s1  }
0x52: {  	s0 =	simm.s32 @!p0 $0x2  }
0x53: {  	_ =	swait.ge @!p0 [sflag:s0], s1  }
0x54: {  	s1 =	ssub.s32 @!p0 $0x0, s1;
	[sflag:s0] =	ssyncset.done @!p0 $0x0  }
0x55: {  	[sflag:s0] =	ssyncadd.s32 @!p0 s1  }
0x56: {  	[bflag:$0x3] =	sbarrier.arrive $0xFFFF  }
0x57: {  	_ =	shalt  }

</sc_bundles>
